<compile_context>
chip_gen: v7x
topology: tpu7x:2x2x1
jax: 0.10.2.dev20260603
libtpu: 0.0.44.dev20260713+nightly
codegen_flags: <defaults>
</compile_context>

<pallas_src>
import jax
import jax.numpy as jnp
from jax import lax
from jax.experimental import pallas as pl
from jax.experimental.pallas import tpu as pltpu
from jax.experimental.pallas import tpu_sc as plsc

B, F, P = 1024, 26, 40
VOCAB, EMB = 100000, 32

N = B * F * P
NC, NS = 2, 16
NW = NC * NS
BW = B // NW
SR = BW * P
NBUF = 2


def _sc_gather(table, idx):
    mesh = plsc.VectorSubcoreMesh(core_axis_name="c", subcore_axis_name="s")

    @pl.kernel(
        out_type=jax.ShapeDtypeStruct((N, EMB), jnp.float32),
        mesh=mesh,
        scratch_types=[
            pltpu.VMEM((F, SR), jnp.int32),
            [pltpu.VMEM((SR, EMB), jnp.float32) for _ in range(NBUF)],
            [pltpu.SemaphoreType.DMA for _ in range(NBUF)],
            [pltpu.SemaphoreType.DMA for _ in range(NBUF)],
        ],
        compiler_params=pltpu.CompilerParams(use_tc_tiling_on_sc=False,
                                             needs_layout_passes=False),
    )
    def k(table_hbm, idx_hbm, out_hbm, idx_v, rows, gsem, ssem):
        wid = lax.axis_index("s") * NC + lax.axis_index("c")
        b0 = wid * BW

        pltpu.sync_copy(idx_hbm.at[pl.ds(0, F), pl.ds(b0 * P, SR)], idx_v)

        def gather(f, b):
            return pltpu.make_async_copy(table_hbm.at[idx_v.at[f]], rows[b],
                                         gsem[b])

        def store(f, b):
            return pltpu.make_async_copy(
                rows[b], out_hbm.at[pl.ds((f * B + b0) * P, SR)], ssem[b])

        def body(u, _):
            for b in range(NBUF):
                f = u * NBUF + b

                @pl.when(u > 0)
                def _drain():
                    store(f, b).wait()

                gather(f, b).start()
            for b in range(NBUF):
                f = u * NBUF + b
                gather(f, b).wait()
                store(f, b).start()
            return _

        lax.fori_loop(0, F // NBUF, body, None)
        for b in range(NBUF):
            store(b, b).wait()

    return k(table, idx)


def kernel(feature, table):
    idx = feature.transpose(1, 0, 2).reshape(F, B * P)
    out = _sc_gather(table, idx)
    return out.reshape(F, B, P * EMB).transpose(1, 0, 2)

# --- scband reference (transcript-rebuilt; emitter-appended) ---
"""Pipeline reference for scband-indexes-embed-nolinear-20942260535633 (READ-ONLY COPY).

The authoritative reference and input builder live on the scoring server;
editing this copy changes nothing except your own understanding.
"""

import jax, jax.numpy as jnp
import numpy as np

B, F, P = 1024, 26, 40
VOCAB, EMB = 100000, 32

def setup_inputs(seed: int = 0) -> dict:
    key = jax.random.key(seed)
    k1, k2 = jax.random.split(key)
    feature = jax.random.randint(k1, (B, F, P), 0, VOCAB, dtype=jnp.int32)
    table = jax.random.normal(k2, (VOCAB, EMB), dtype=jnp.float32)
    # padding_idx=0: row 0 is zeros, as in torch nn.Embedding(padding_idx=0)
    table = table.at[0].set(0.0)
    return {"feature": feature, "table": table}

def reference(feature, table):
    # getIndex: embedding lookup
    emb = jnp.take(table, feature, axis=0)  # [B, F, P, EMB]
    # reshape(final.shape[0], final.shape[1], -1)
    final = emb.reshape(emb.shape[0], emb.shape[1], -1)  # [B, F, P*EMB]
    return final

if __name__ == "__main__":
    import jax
    _d = setup_inputs()
    print(jax.jit(kernel)(*tuple(_d.values())))

</pallas_src>

<mosaic_0001>
#map = affine_map<(d0, d1) -> (0, 0)>
module attributes {stable_mosaic.version = 14 : i64} {
  func.func @k(%arg0: i32, %arg1: i32, %arg2: memref<100000x32xf32, #tpu.memory_space<hbm>>, %arg3: memref<26x40960xi32, #tpu.memory_space<hbm>>, %arg4: memref<1064960x32xf32, #tpu.memory_space<hbm>>, %arg5: memref<26x1280xi32, #tpu.memory_space<vmem>>, %arg6: memref<1280x32xf32, #tpu.memory_space<vmem>>, %arg7: memref<1280x32xf32, #tpu.memory_space<vmem>>, %arg8: memref<!tpu.dma_semaphore, #tpu.memory_space<semaphore_mem>>, %arg9: memref<!tpu.dma_semaphore, #tpu.memory_space<semaphore_mem>>, %arg10: memref<!tpu.dma_semaphore, #tpu.memory_space<semaphore_mem>>, %arg11: memref<!tpu.dma_semaphore, #tpu.memory_space<semaphore_mem>>) attributes {dimension_semantics = [#tpu.dimension_semantics<core_parallel>, #tpu.dimension_semantics<subcore_parallel>], iteration_bounds = array<i64: 2, 16>, scalar_prefetch = 0 : i64, scratch_operands = 7 : i64, tpu.core_type = #tpu.core_type<sc_vector_subcore>, window_params = [{transform_indices = #map}, {transform_indices = #map}, {transform_indices = #map}]} {
    %mul3A = arith.constant 2 : i32
    %mul3A_0 = arith.muli %arg1, %mul3A : i32
    %add3A = arith.addi %mul3A_0, %arg0 : i32
    %mul3A_1 = arith.constant 32 : i32
    %mul3A_2 = arith.muli %add3A, %mul3A_1 : i32
    %mul3A_3 = arith.constant 40 : i32
    %mul3A_4 = arith.muli %mul3A_2, %mul3A_3 : i32
    "tpu.region"() ({
      %run_scoped3A = tpu.sem_alloc : memref<!tpu.dma_semaphore, #tpu.memory_space<semaphore_mem>>
      %dma_start3A = arith.constant 0 : i32
      %dma_start3A_24 = tpu.memref_slice %arg3[%dma_start3A, %mul3A_4] : memref<26x40960xi32, #tpu.memory_space<hbm>> -> memref<26x1280xi32, #tpu.memory_space<hbm>>
      %dma_start3A_25 = arith.constant 0 : i32
      %dma_start3A_26 = tpu.memref_slice %arg3[%dma_start3A_25, %mul3A_4] : memref<26x40960xi32, #tpu.memory_space<hbm>> -> memref<26x1280xi32, #tpu.memory_space<hbm>>
      tpu.enqueue_dma source(%dma_start3A_26 : memref<26x1280xi32, #tpu.memory_space<hbm>>) target(%arg5 : memref<26x1280xi32, #tpu.memory_space<vmem>>) target_semaphore(%run_scoped3A : memref<!tpu.dma_semaphore, #tpu.memory_space<semaphore_mem>>)
      %dma_wait3A_27 = arith.constant 0 : i32
      %dma_wait3A_28 = tpu.memref_slice %arg3[%dma_wait3A_27, %mul3A_4] : memref<26x40960xi32, #tpu.memory_space<hbm>> -> memref<26x1280xi32, #tpu.memory_space<hbm>>
      %dma_wait3A_29 = arith.constant 0 : i32
      %dma_wait3A_30 = tpu.memref_slice %arg3[%dma_wait3A_29, %mul3A_4] : memref<26x40960xi32, #tpu.memory_space<hbm>> -> memref<26x1280xi32, #tpu.memory_space<hbm>>
      tpu.wait_dma2 semaphore(%run_scoped3A : memref<!tpu.dma_semaphore, #tpu.memory_space<semaphore_mem>>) src(%dma_wait3A_30 : memref<26x1280xi32, #tpu.memory_space<hbm>>) dst(%arg5 : memref<26x1280xi32, #tpu.memory_space<vmem>>)
      tpu.yield
    }) : () -> ()
    %scan3A = arith.constant 0 : i32
    %scan3A_5 = arith.constant 13 : i32
    %scan3A_6 = arith.addi %scan3A, %scan3A_5 : i32
    %scan3A_7 = arith.constant 1 : i32
    scf.for %scan3A_24 = %scan3A to %scan3A_6 step %scan3A_7  : i32 {
      %mul3A_25 = arith.constant 2 : i32
      %mul3A_26 = arith.muli %scan3A_24, %mul3A_25 : i32
      %add3A_27 = arith.constant 0 : i32
      %add3A_28 = arith.addi %mul3A_26, %add3A_27 : i32
      %gt3A = arith.constant 0 : i32
      %gt3A_29 = arith.cmpi sgt, %scan3A_24, %gt3A : i32
      %convert_element_type3A = arith.extui %gt3A_29 : i1 to i32
      %cond3A = arith.constant 0 : i32
      %cond3A_30 = arith.cmpi ne, %convert_element_type3A, %cond3A : i32
      scf.if %cond3A_30 {
        %mul3A_89 = arith.constant 1024 : i32
        %mul3A_90 = arith.muli %add3A_28, %mul3A_89 : i32
        %add3A_91 = arith.addi %mul3A_90, %mul3A_2 : i32
        %mul3A_92 = arith.constant 40 : i32
        %mul3A_93 = arith.muli %add3A_91, %mul3A_92 : i32
        %dma_wait3A_94 = arith.constant 0 : i32
        %dma_wait3A_95 = tpu.memref_slice %arg4[%mul3A_93, %dma_wait3A_94] : memref<1064960x32xf32, #tpu.memory_space<hbm>> -> memref<1280x32xf32, #tpu.memory_space<hbm>>
        %dma_wait3A_96 = arith.constant 0 : i32
        %dma_wait3A_97 = tpu.memref_slice %arg4[%mul3A_93, %dma_wait3A_96] : memref<1064960x32xf32, #tpu.memory_space<hbm>> -> memref<1280x32xf32, #tpu.memory_space<hbm>>
        tpu.wait_dma2 semaphore(%arg10 : memref<!tpu.dma_semaphore, #tpu.memory_space<semaphore_mem>>) src(%arg6 : memref<1280x32xf32, #tpu.memory_space<vmem>>) dst(%dma_wait3A_97 : memref<1280x32xf32, #tpu.memory_space<hbm>>)
      } else {
      }
      %dma_start3A = arith.constant 0 : i32
      %dma_start3A_31 = tpu.memref_slice %arg5[%add3A_28, %dma_start3A] : memref<26x1280xi32, #tpu.memory_space<vmem>> -> memref<1x1280xi32, #tpu.memory_space<vmem>>
      %dma_start3A_32 = tpu.memref_squeeze %dma_start3A_31 : memref<1x1280xi32, #tpu.memory_space<vmem>> -> memref<1280xi32, #tpu.memory_space<vmem>>
      %dma_start3A_33 = arith.constant 0 : i32
      %dma_start3A_34 = arith.constant 0 : i32
      %dma_start3A_35 = tpu.memref_slice %arg2[%dma_start3A_33, %dma_start3A_34] : memref<100000x32xf32, #tpu.memory_space<hbm>> -> memref<100000x32xf32, #tpu.memory_space<hbm>>
      tpu.enqueue_indirect_dma source(%dma_start3A_35 : memref<100000x32xf32, #tpu.memory_space<hbm>>) target(%arg6 : memref<1280x32xf32, #tpu.memory_space<vmem>>) offsets(%dma_start3A_32 : memref<1280xi32, #tpu.memory_space<vmem>>) semaphore(%arg8 : memref<!tpu.dma_semaphore, #tpu.memory_space<semaphore_mem>>)
      %mul3A_36 = arith.constant 2 : i32
      %mul3A_37 = arith.muli %scan3A_24, %mul3A_36 : i32
      %add3A_38 = arith.constant 1 : i32
      %add3A_39 = arith.addi %mul3A_37, %add3A_38 : i32
      %gt3A_40 = arith.constant 0 : i32
      %gt3A_41 = arith.cmpi sgt, %scan3A_24, %gt3A_40 : i32
      %convert_element_type3A_42 = arith.extui %gt3A_41 : i1 to i32
      %cond3A_43 = arith.constant 0 : i32
      %cond3A_44 = arith.cmpi ne, %convert_element_type3A_42, %cond3A_43 : i32
      scf.if %cond3A_44 {
        %mul3A_89 = arith.constant 1024 : i32
        %mul3A_90 = arith.muli %add3A_39, %mul3A_89 : i32
        %add3A_91 = arith.addi %mul3A_90, %mul3A_2 : i32
        %mul3A_92 = arith.constant 40 : i32
        %mul3A_93 = arith.muli %add3A_91, %mul3A_92 : i32
        %dma_wait3A_94 = arith.constant 0 : i32
        %dma_wait3A_95 = tpu.memref_slice %arg4[%mul3A_93, %dma_wait3A_94] : memref<1064960x32xf32, #tpu.memory_space<hbm>> -> memref<1280x32xf32, #tpu.memory_space<hbm>>
        %dma_wait3A_96 = arith.constant 0 : i32
        %dma_wait3A_97 = tpu.memref_slice %arg4[%mul3A_93, %dma_wait3A_96] : memref<1064960x32xf32, #tpu.memory_space<hbm>> -> memref<1280x32xf32, #tpu.memory_space<hbm>>
        tpu.wait_dma2 semaphore(%arg11 : memref<!tpu.dma_semaphore, #tpu.memory_space<semaphore_mem>>) src(%arg7 : memref<1280x32xf32, #tpu.memory_space<vmem>>) dst(%dma_wait3A_97 : memref<1280x32xf32, #tpu.memory_space<hbm>>)
      } else {
      }
      %dma_start3A_45 = arith.constant 0 : i32
      %dma_start3A_46 = tpu.memref_slice %arg5[%add3A_39, %dma_start3A_45] : memref<26x1280xi32, #tpu.memory_space<vmem>> -> memref<1x1280xi32, #tpu.memory_space<vmem>>
      %dma_start3A_47 = tpu.memref_squeeze %dma_start3A_46 : memref<1x1280xi32, #tpu.memory_space<vmem>> -> memref<1280xi32, #tpu.memory_space<vmem>>
      %dma_start3A_48 = arith.constant 0 : i32
      %dma_start3A_49 = arith.constant 0 : i32
      %dma_start3A_50 = tpu.memref_slice %arg2[%dma_start3A_48, %dma_start3A_49] : memref<100000x32xf32, #tpu.memory_space<hbm>> -> memref<100000x32xf32, #tpu.memory_space<hbm>>
      tpu.enqueue_indirect_dma source(%dma_start3A_50 : memref<100000x32xf32, #tpu.memory_space<hbm>>) target(%arg7 : memref<1280x32xf32, #tpu.memory_space<vmem>>) offsets(%dma_start3A_47 : memref<1280xi32, #tpu.memory_space<vmem>>) semaphore(%arg9 : memref<!tpu.dma_semaphore, #tpu.memory_space<semaphore_mem>>)
      %mul3A_51 = arith.constant 2 : i32
      %mul3A_52 = arith.muli %scan3A_24, %mul3A_51 : i32
      %add3A_53 = arith.constant 0 : i32
      %add3A_54 = arith.addi %mul3A_52, %add3A_53 : i32
      %dma_wait3A_55 = arith.constant 0 : i32
      %dma_wait3A_56 = tpu.memref_slice %arg5[%add3A_54, %dma_wait3A_55] : memref<26x1280xi32, #tpu.memory_space<vmem>> -> memref<1x1280xi32, #tpu.memory_space<vmem>>
      %dma_wait3A_57 = tpu.memref_squeeze %dma_wait3A_56 : memref<1x1280xi32, #tpu.memory_space<vmem>> -> memref<1280xi32, #tpu.memory_space<vmem>>
      %dma_wait3A_58 = arith.constant 0 : i32
      %dma_wait3A_59 = arith.constant 0 : i32
      %dma_wait3A_60 = tpu.memref_slice %arg2[%dma_wait3A_58, %dma_wait3A_59] : memref<100000x32xf32, #tpu.memory_space<hbm>> -> memref<100000x32xf32, #tpu.memory_space<hbm>>
      tpu.wait_indirect_dma semaphore(%arg8 : memref<!tpu.dma_semaphore, #tpu.memory_space<semaphore_mem>>) src(%dma_wait3A_60 : memref<100000x32xf32, #tpu.memory_space<hbm>>) dst(%arg6 : memref<1280x32xf32, #tpu.memory_space<vmem>>)
      %mul3A_61 = arith.constant 1024 : i32
      %mul3A_62 = arith.muli %add3A_54, %mul3A_61 : i32
      %add3A_63 = arith.addi %mul3A_62, %mul3A_2 : i32
      %mul3A_64 = arith.constant 40 : i32
      %mul3A_65 = arith.muli %add3A_63, %mul3A_64 : i32
      %dma_start3A_66 = arith.constant 0 : i32
      %dma_start3A_67 = tpu.memref_slice %arg4[%mul3A_65, %dma_start3A_66] : memref<1064960x32xf32, #tpu.memory_space<hbm>> -> memref<1280x32xf32, #tpu.memory_space<hbm>>
      %dma_start3A_68 = arith.constant 0 : i32
      %dma_start3A_69 = tpu.memref_slice %arg4[%mul3A_65, %dma_start3A_68] : memref<1064960x32xf32, #tpu.memory_space<hbm>> -> memref<1280x32xf32, #tpu.memory_space<hbm>>
      tpu.enqueue_dma source(%arg6 : memref<1280x32xf32, #tpu.memory_space<vmem>>) target(%dma_start3A_69 : memref<1280x32xf32, #tpu.memory_space<hbm>>) target_semaphore(%arg10 : memref<!tpu.dma_semaphore, #tpu.memory_space<semaphore_mem>>)
      %mul3A_70 = arith.constant 2 : i32
      %mul3A_71 = arith.muli %scan3A_24, %mul3A_70 : i32
      %add3A_72 = arith.constant 1 : i32
      %add3A_73 = arith.addi %mul3A_71, %add3A_72 : i32
      %dma_wait3A_74 = arith.constant 0 : i32
      %dma_wait3A_75 = tpu.memref_slice %arg5[%add3A_73, %dma_wait3A_74] : memref<26x1280xi32, #tpu.memory_space<vmem>> -> memref<1x1280xi32, #tpu.memory_space<vmem>>
      %dma_wait3A_76 = tpu.memref_squeeze %dma_wait3A_75 : memref<1x1280xi32, #tpu.memory_space<vmem>> -> memref<1280xi32, #tpu.memory_space<vmem>>
      %dma_wait3A_77 = arith.constant 0 : i32
      %dma_wait3A_78 = arith.constant 0 : i32
      %dma_wait3A_79 = tpu.memref_slice %arg2[%dma_wait3A_77, %dma_wait3A_78] : memref<100000x32xf32, #tpu.memory_space<hbm>> -> memref<100000x32xf32, #tpu.memory_space<hbm>>
      tpu.wait_indirect_dma semaphore(%arg9 : memref<!tpu.dma_semaphore, #tpu.memory_space<semaphore_mem>>) src(%dma_wait3A_79 : memref<100000x32xf32, #tpu.memory_space<hbm>>) dst(%arg7 : memref<1280x32xf32, #tpu.memory_space<vmem>>)
      %mul3A_80 = arith.constant 1024 : i32
      %mul3A_81 = arith.muli %add3A_73, %mul3A_80 : i32
      %add3A_82 = arith.addi %mul3A_81, %mul3A_2 : i32
      %mul3A_83 = arith.constant 40 : i32
      %mul3A_84 = arith.muli %add3A_82, %mul3A_83 : i32
      %dma_start3A_85 = arith.constant 0 : i32
      %dma_start3A_86 = tpu.memref_slice %arg4[%mul3A_84, %dma_start3A_85] : memref<1064960x32xf32, #tpu.memory_space<hbm>> -> memref<1280x32xf32, #tpu.memory_space<hbm>>
      %dma_start3A_87 = arith.constant 0 : i32
      %dma_start3A_88 = tpu.memref_slice %arg4[%mul3A_84, %dma_start3A_87] : memref<1064960x32xf32, #tpu.memory_space<hbm>> -> memref<1280x32xf32, #tpu.memory_space<hbm>>
      tpu.enqueue_dma source(%arg7 : memref<1280x32xf32, #tpu.memory_space<vmem>>) target(%dma_start3A_88 : memref<1280x32xf32, #tpu.memory_space<hbm>>) target_semaphore(%arg11 : memref<!tpu.dma_semaphore, #tpu.memory_space<semaphore_mem>>)
    }
    %scan3A_8 = arith.constant 13 : i32
    %add3A_9 = arith.constant 0 : i32
    %add3A_10 = arith.addi %add3A_9, %mul3A_2 : i32
    %mul3A_11 = arith.constant 40 : i32
    %mul3A_12 = arith.muli %add3A_10, %mul3A_11 : i32
    %dma_wait3A = arith.constant 0 : i32
    %dma_wait3A_13 = tpu.memref_slice %arg4[%mul3A_12, %dma_wait3A] : memref<1064960x32xf32, #tpu.memory_space<hbm>> -> memref<1280x32xf32, #tpu.memory_space<hbm>>
    %dma_wait3A_14 = arith.constant 0 : i32
    %dma_wait3A_15 = tpu.memref_slice %arg4[%mul3A_12, %dma_wait3A_14] : memref<1064960x32xf32, #tpu.memory_space<hbm>> -> memref<1280x32xf32, #tpu.memory_space<hbm>>
    tpu.wait_dma2 semaphore(%arg10 : memref<!tpu.dma_semaphore, #tpu.memory_space<semaphore_mem>>) src(%arg6 : memref<1280x32xf32, #tpu.memory_space<vmem>>) dst(%dma_wait3A_15 : memref<1280x32xf32, #tpu.memory_space<hbm>>)
    %add3A_16 = arith.constant 1024 : i32
    %add3A_17 = arith.addi %add3A_16, %mul3A_2 : i32
    %mul3A_18 = arith.constant 40 : i32
    %mul3A_19 = arith.muli %add3A_17, %mul3A_18 : i32
    %dma_wait3A_20 = arith.constant 0 : i32
    %dma_wait3A_21 = tpu.memref_slice %arg4[%mul3A_19, %dma_wait3A_20] : memref<1064960x32xf32, #tpu.memory_space<hbm>> -> memref<1280x32xf32, #tpu.memory_space<hbm>>
    %dma_wait3A_22 = arith.constant 0 : i32
    %dma_wait3A_23 = tpu.memref_slice %arg4[%mul3A_19, %dma_wait3A_22] : memref<1064960x32xf32, #tpu.memory_space<hbm>> -> memref<1280x32xf32, #tpu.memory_space<hbm>>
    tpu.wait_dma2 semaphore(%arg11 : memref<!tpu.dma_semaphore, #tpu.memory_space<semaphore_mem>>) src(%arg7 : memref<1280x32xf32, #tpu.memory_space<vmem>>) dst(%dma_wait3A_23 : memref<1280x32xf32, #tpu.memory_space<hbm>>)
    return
  }
}

</mosaic_0001>

<sc_bundles>
// kernel: kernel.3.cloned.1.call-start
scs
__scs_entry_jumppad:
0x0: {  	(pc) =	sbr.rel $0x88, $3  }
0x1: {  	(tag) =	ssettag $0x0;
	lr =	simm.s32 $0x1  }
0x2: {  	[smem:$0x3F9F] =	sst lr;
	_ =	strace $0xD0000000  }
0x3: {  	_ = 	snop  }
0x4: {  	_ = 	snop  }
0x5: {  	_ = 	snop  }
0x6: {  	_ = 	snop  }
0x7: {  	_ = 	snop  }
__scs_overlays_trampoline_lowered:
0x8: {  	[smem:$0x3FAE] =	sst s0  }
0x9: {  	[smem:$0x3FAF] =	sst s1  }
0xa: {  	[smem:$0x3FB0] =	sst s2  }
0xb: {  	[smem:$0x3FB1] =	sst s3  }
0xc: {  	[smem:$0x3FB2] =	sst s4  }
0xd: {  	[smem:$0x3FB3] =	sst s5  }
0xe: {  	[smem:$0x3FB4] =	sst s6  }
0xf: {  	[smem:$0x3FB5] =	sst s7  }
0x10: {  	[smem:$0x3FB6] =	sst s8  }
0x11: {  	[smem:$0x3FB7] =	sst s9;
	s0 =	simm.s32 @!p0 $0x0  }
0x12: {  	s1 =	sld [smem:$0x3F9D];
	s0 =	simm.s32 @p0 $0x1  }
0x13: {  	[smem:$0x3FB8] =	sst s0;
	s0 =	simm.s32 @!p1 $0x0  }
0x14: {  	s2 =	sld [smem:$0x3F9C];
	s0 =	simm.s32 @p1 $0x1  }
0x15: {  	[smem:$0x3FB9] =	sst s0;
	s0 =	simm.s32 @!p2 $0x0  }
0x16: {  	s3 =	sld [smem:$0x3FDB];
	s0 =	simm.s32 @p2 $0x1  }
0x17: {  	s4 =	simm.s32 $0x1BF5;
	[smem:$0x3FBB] =	sst s0  }
0x18: {  	s0 =	sld [smem:$0x3F9E];
	_ =	swait.ge [sflag:s4], $0x0  }
0x19: {  	s7 =	sld [smem:$0x3F9F]  }
0x1a: {  	s8 =	sadd.s32 $0xFFFFE003, lr  }
0x1b: {  	s9 =	sadd.s32 $0xFFFFFEF7, lr;
	s5 =	simm.s32 $0xFFFFFFFF;
	p2 =	slt.u32 s8, $0xFFFFF086  }
0x1c: {  	p1 =	slt.u32 s9, $0xF7A;
	s5 =	simm.s32 @!p2 $0x0  }
0x1d: {  	s5 =	simm.s32 @p1 $0x1;
	p0 =	seq.s32 s7, s2  }
0x1e: {  	s7 =	smul.u32 @!p0 $0xF7A, s2;
	p2 =	seq.s32 @!p0 s5, $0x0  }
0x1f: {  	s9 =	smul.u32 $0xF7A, s1;
	s8 =	simm.s32 @!p0 $0x1BF5;
	p2 =	por !p2, p0  }
0x20: {  	[sflag:s8] =	ssyncset.s32 @!p0 $0xFFFFF086;
	s6 =	sadd.s32 @!p0 s3, s7;
	s7 =	simm.s32 @!p0 $0x108  }
0x21: {  	s3 =	sadd.s32 s3, s9;
	s6 =	sadd.s32 @!p0 $0x88, s6;
	s7 =	simm.s32 @p2 $0x1082  }
0x22: {  	[simem:s7], [sflag:s8] =	dma.local @!p0 [hbm:s6], $0xF7A  }
0x23: {  	s9 =	sor.u32 $0xD0000000, s2;
	s6 =	simm.s32 $0x108;
	_ =	swait.ge @!p0 [sflag:s8], $0x0  }
0x24: {  	s3 =	sadd.s32 $0x88, s3;
	s6 =	simm.s32 @!p1 $0x1082;
	[sflag:s4] =	ssyncset.s32 $0xFFFFF086  }
0x25: {  	[simem:s6], [sflag:s4] =	dma.local [hbm:s3], $0xF7A  }
0x26: {  	[smem:$0x3F9F] =	sst s1;
	(tag) =	ssettag s2;
	_ =	strace s9  }
0x27: {  	s1 =	sld [smem:$0x3FAF]  }
0x28: {  	s2 =	sld [smem:$0x3FB0]  }
0x29: {  	s4 =	sld [smem:$0x3FB2]  }
0x2a: {  	p0 =	seq.s32 s5, $0x0;
	s5 =	sld [smem:$0x3FB3]  }
0x2b: {  	s6 =	sld [smem:$0x3FB4]  }
0x2c: {  	s7 =	sld [smem:$0x3FB5]  }
0x2d: {  	s3 =	simm.s32 $0x108;
	s8 =	sld [smem:$0x3FB6]  }
0x2e: {  	s3 =	simm.s32 @!p0 $0x1082;
	s9 =	sld [smem:$0x3FB7]  }
0x2f: {  	lr =	sadd.s32 s0, s3;
	s0 =	sld [smem:$0x3FAE]  }
0x30: {  	s3 =	sld [smem:$0x3FB1]  }
0x31: {  	[smem:$0x3FBA] =	sst s10  }
0x32: {  	s10 =	sld [smem:$0x3FB8];
	_ =	sdelay $0x3  }
0x33: {  	p0 =	seq.s32 s10, $0x1;
	s10 =	sld [smem:$0x3FBA];
	_ =	sdelay $0x3  }
0x34: {  	[smem:$0x3FBA] =	sst s10  }
0x35: {  	s10 =	sld [smem:$0x3FB9];
	_ =	sdelay $0x3  }
0x36: {  	p1 =	seq.s32 s10, $0x1;
	s10 =	sld [smem:$0x3FBA];
	_ =	sdelay $0x3  }
0x37: {  	[smem:$0x3FBA] =	sst s10  }
0x38: {  	s10 =	sld [smem:$0x3FBB]  }
0x39: {  	_ = 	snop;
	(pc) =	sbr.ind lr, $3  }
0x3a: {  	_ = 	snop  }
0x3b: {  	_ = 	snop  }
0x3c: {  	p2 =	seq.s32 s10, $0x1;
	s10 =	sld [smem:$0x3FBA]  }
0x3d: {  	_ =	shalt  }
0x3e: {  	_ =	shalt  }
0x3f: {  	_ =	shalt  }
0x40: {  	_ =	shalt  }
0x41: {  	_ =	shalt  }
0x42: {  	_ =	shalt  }
0x43: {  	_ =	shalt  }
0x44: {  	_ =	shalt  }
0x45: {  	_ =	shalt  }
0x46: {  	_ =	shalt  }
0x47: {  	_ =	shalt  }
0x48: {  	_ =	shalt  }
0x49: {  	_ =	shalt  }
0x4a: {  	_ =	shalt  }
0x4b: {  	_ =	shalt  }
0x4c: {  	_ =	shalt  }
0x4d: {  	_ =	shalt  }
0x4e: {  	_ =	shalt  }
0x4f: {  	_ =	shalt  }
0x50: {  	_ =	shalt  }
0x51: {  	_ =	shalt  }
0x52: {  	_ =	shalt  }
0x53: {  	_ =	shalt  }
0x54: {  	_ =	shalt  }
0x55: {  	_ =	shalt  }
0x56: {  	_ =	shalt  }
0x57: {  	_ =	shalt  }
0x58: {  	_ =	shalt  }
0x59: {  	_ =	shalt  }
0x5a: {  	_ =	shalt  }
0x5b: {  	_ =	shalt  }
0x5c: {  	_ =	shalt  }
0x5d: {  	_ =	shalt  }
0x5e: {  	_ =	shalt  }
0x5f: {  	_ =	shalt  }
0x60: {  	_ =	shalt  }
0x61: {  	_ =	shalt  }
0x62: {  	_ =	shalt  }
0x63: {  	_ =	shalt  }
0x64: {  	_ =	shalt  }
0x65: {  	_ =	shalt  }
0x66: {  	_ =	shalt  }
0x67: {  	_ =	shalt  }
0x68: {  	_ =	shalt  }
0x69: {  	_ =	shalt  }
0x6a: {  	_ =	shalt  }
0x6b: {  	_ =	shalt  }
0x6c: {  	_ =	shalt  }
0x6d: {  	_ =	shalt  }
0x6e: {  	_ =	shalt  }
0x6f: {  	_ =	shalt  }
0x70: {  	_ =	shalt  }
0x71: {  	_ =	shalt  }
0x72: {  	_ =	shalt  }
0x73: {  	_ =	shalt  }
0x74: {  	_ =	shalt  }
0x75: {  	_ =	shalt  }
0x76: {  	_ =	shalt  }
0x77: {  	_ =	shalt  }
0x78: {  	_ =	shalt  }
0x79: {  	_ =	shalt  }
0x7a: {  	_ =	shalt  }
0x7b: {  	_ =	shalt  }
0x7c: {  	_ =	shalt  }
0x7d: {  	_ =	shalt  }
0x7e: {  	_ =	shalt  }
0x7f: {  	_ =	shalt  }
0x80: {  	_ =	shalt  }
0x81: {  	_ =	shalt  }
0x82: {  	_ =	shalt  }
0x83: {  	_ =	shalt  }
0x84: {  	_ =	shalt  }
0x85: {  	_ =	shalt  }
0x86: {  	_ =	shalt  }
0x87: {  	_ =	shalt  }
.Lfunc_end0:
.L_simem_size_0:
called_computation_lowered:
.L_overlay_start_0:
0x88: {  	s2 =	sld [smem:$0x3FD9]  }
0x89: {  	s3 =	sld [smem:$0x3FFE];
	_ =	sdelay $0x1  }
0x8a: {  	s1 =	srdreg.scid  }
0x8b: {  	s0 =	sand.u32 $0x1, s1  }
0x8c: {  	s16 =	sshll.u32 s0, $0xA;
	s2 =	sadd.s32 s3, s2  }
0x8d: {  	s2 =	sadd.s32 s2, s16  }
0x8e: {  	[smem:$0x3FC6] =	sst s2  }
0x8f: {  	_ = 	snop  }
0x90: {  	(tm) =	ssettm $0x1  }
0x91: {  	s17 =	sld [smem:$0x3FFB];
	_ =	sdelay $0x3  }
0x92: {  	_ =	strace s17  }
0x93: {  	s2 =	sld [smem:$0x3FFC];
	_ =	sdelay $0x3  }
0x94: {  	_ =	strace s2  }
0x95: {  	s2 =	sld [smem:$0x3FFD];
	_ =	sdelay $0x3  }
0x96: {  	_ =	strace s2  }
0x97: {  	_ =	strace $0x8FFFFFFF  }
0x98: {  	s18 =	sld [smem:$0x3FDB];
	_ =	sdelay $0x1  }
0x99: {  	s19 =	simm.s32 $_scs_section_size  }
0x9a: {  	s4 =	simm.s32 $_size__tile_overlayer_lowered;
	s5 =	simm.s32 $_tile_overlayer_lowered  }
0x9b: {  	s22 =	simm.s32 $0x1BFF;
	s21 =	sshll.u32 s5, $0x1;
	s2 =	sadd.s32 s19, s18  }
0x9c: {  	s6 =	simm.s32 $0x0;
	s20 =	sshll.u32 s4, $0x1;
	s4 =	sadd.s32 s21, s2  }
0x9d: {  	[timem:s6], [sflag:s22] =	dma.local [hbm:s4], s20  }
0x9e: {  	_ =	swait.ge [sflag:s22], s20  }
0x9f: {  	s3 =	ssub.s32 $0x0, s20;
	[sflag:s22] =	ssyncset.done $0x0  }
0xa0: {  	[sflag:s22] =	ssyncadd.s32 s3;
	_ =	sdelay $0x1  }
0xa1: {  	s23 =	simm.s32 $0x1B8B  }
0xa2: {  	_ =	swait.ge [sflag:s23], $0x1  }
0xa3: {  	[sflag:s23] =	ssyncset.done $0x0  }
0xa4: {  	s25 =	simm.s32 $0x1B8E;
	s24 =	sld [smem:$0x3FFE];
	[sflag:s23] =	ssyncadd.s32 $0xFFFFFFFF  }
0xa5: {  	s26 =	simm.s32 $execute0_lowered;
	[smem:$0x3FD2] =	sst s25  }
0xa6: {  	s4 =	sshll.u32 s26, $0x1;
	_ =	strace $0x80000046;
	[dreg:$0x1] =	wrdreg $0xFFFFFFFF  }
0xa7: {  	s28 =	simm.s32 $_size_execute0_lowered;
	s2 =	sadd.s32 s2, s4;
	[dreg:$0x0] =	wrdreg $0x0  }
0xa8: {  	s4 =	sshll.u32 s28, $0x1;
	[dreg:$0x2] =	wrdreg s2  }
0xa9: {  	[dreg:$0x3] =	wrdreg s4  }
0xaa: {  	[dreg:$0x4] =	wrdreg $0xC0  }
0xab: {  	_ =	task [dreg:s6], $0x5FFFF  }
0xac: {  	[dreg:$0x1] =	wrdreg $0xFFFFFFFF  }
0xad: {  	[dreg:$0x0] =	wrdreg $0x60  }
0xae: {  	[dreg:$0x2] =	wrdreg s24  }
0xaf: {  	[dreg:$0x3] =	wrdreg $0x9  }
0xb0: {  	_ =	task.clear_ibuf [dreg:s6], $0x4FFFF;
	_ =	strace $0x90000046  }
0xb1: {  	s29 =	simm.s32 $0x9;
	_ =	strace $0x80000048  }
0xb2: {  	_ =	swait.ge [sflag:s29], $0x1  }
0xb3: {  	[sflag:s29] =	ssyncadd.s32 $0xFFFFFFFF  }
0xb4: {  	_ =	strace $0x90000048  }
0xb5: {  	_ =	sfence  }
0xb6: {  	s30 =	sld [smem:$0x0];
	_ =	sdelay $0x2  }
0xb7: {  	s31 =	sshll.u32 s1, $0xD;
	s1 =	sshrl.u32 s1, $0x2  }
0xb8: {  	s3 =	sand.u32 $0x4000, s31;
	s1 =	sadd.s32 s1, s30  }
0xb9: {  	s0 =	sor.u32 s3, s0;
	s1 =	sshll.u32 s1, $0x11  }
0xba: {  	s0 =	sor.u32 s1, s0  }
0xbb: {  	s0 =	sadd.s32 $0x8F2B, s0  }
0xbc: {  	[sflag:s0] =	ssyncadd.remote.s32 $0x1  }
0xbd: {  	_ =	sfence.sel $0xFFFF  }
0xbe: {  	[dreg:$0x0] =	wrdreg $0xFFFFFFFF;
	(pc) =	sbr.abs _section_cstart, $3  }
0xbf: {  	[dreg:$0x1] =	wrdreg $0xFFFFFFFF  }
0xc0: {  	_ =	task.clear_ibuf [dreg:s6], $0x2FFFF;
	_ =	strace $0x9FFFFFFF  }
0xc1: {  	(tm) =	ssettm $0x7FFFFFFF  }
tec
execute0_lowered:
.L_overlay_start_1:
0x0: {  	(tag) =	ssettag $0x1  }
0x1: {  	s1 =	srdreg.scid  }
0x2: {  	s0 =	stileid.u32;
	s4 =	rddreg [dreg:$0x0]  }
0x3: {  	s2 =	simm.s32 $0x0;
	s12 =	simm.s32 $0x8200;
	s13 =	simm.s32 $0x12200  }
0x4: {  	s14 =	simm.s32 $0x1;
	s15 =	simm.s32 $0x2;
	s16 =	simm.s32 $0x3  }
0x5: {  	s17 =	simm.s32 $0x4;
	s5 =	sand.u32 $0x1, s1;
	s1 =	rddreg [dreg:$0x1]  }
0x6: {  	s18 =	simm.s32 $0x0;
	s3 =	sshll.u32 s0, $0x1;
	[smem:$0x7FF] =	sst s2  }
0x7: {  	s9 =	sadd.s32 $0x83800, s4;
	s10 =	smul.u32 $0x2800, s0;
	s6 =	sor.u32 s5, s3  }
0x8: {  	_ =	strace $0x80000047;
	s8 =	ssub.s32 $0x2, s5;
	s11 =	smul.u32 $0x1400, s5  }
0x9: {  	s3 =	sadd.s32 $0x21C00, s4;
	s7 =	smul.u32 $0xA0, s6;
	s30 =	sshrl.u32 s8, $0x1  }
0xa: {  	s6 =	smul.u32 $0x1400, s6;
	s31 =	sadd.s32 s10, s9;
	s8 =	ssub.s32 s8, s30  }
0xb: {  	s10 =	simm.s32 $0xA000;
	s7 =	sadd.s32 s7, s4;
	s5 =	smax.u32 s8, $0x1  }
0xc: {  	s6 =	sadd.s32 s9, s6;
	s8 =	sadd.s32 s11, s31;
	s9 =	simm.s32 $0x500  }
0xd: {  	s11 =	simm.s32 $0x5;
	s4 =	sadd.s32 $0x1400, s7;
	s7 =	sadd.s32 $0x28000, s6  }
.LBB2_1:
0xe: {  	[tilespmem:s2], [sflag:$0x5] =	stream.strided.gather [hbm4b:s4+s9], $0x8200, s10, s9, $0x38;
	[tilespmem:$0x1C200] =	vst v63  }
0xf: {  	_ =	swait.ge [sflag:s11], $0x8200  }
0x10: {  	[sflag:s11] =	ssyncset.done $0x0  }
0x11: {  	[sflag:s11] =	ssyncadd.s32 $0xFFFF7E00  }
0x12: {  	[tilespmem:s12], [sflag:$0x1] =	stream.indirect.gather [hbm4b:s3+s9], $0x20, s2, s9, $0xb8;
	[tilespmem:$0x1C200] =	vst v63  }
0x13: {  	_ = 	snop  }
0x14: {  	[tilespmem:s13], [sflag:$0x2] =	stream.indirect.gather [hbm4b:s3+s9], $0x20, s9, s9, $0xb8;
	[tilespmem:$0x1C200] =	vst v63  }
0x15: {  	_ =	swait.ge [sflag:s14], $0xA000  }
0x16: {  	[sflag:s14] =	ssyncset.done $0x0  }
0x17: {  	[sflag:s14] =	ssyncadd.s32 $0xFFFF6000  }
0x18: {  	[hbm4b:s6+s2] =	stream.linear.scatter [tilespmem:s12], [sflag:$0x3], $0xA000, $0x38;
	[tilespmem:$0x1C200] =	vst v63  }
0x19: {  	_ =	swait.ge [sflag:s15], $0xA000  }
0x1a: {  	[sflag:s15] =	ssyncset.done $0x0  }
0x1b: {  	[sflag:s15] =	ssyncadd.s32 $0xFFFF6000  }
0x1c: {  	[hbm4b:s7+s2] =	stream.linear.scatter [tilespmem:s13], [sflag:$0x4], $0xA000, $0x38;
	[tilespmem:$0x1C200] =	vst v63  }
0x1d: {  	_ =	swait.ge [sflag:s16], $0xA000  }
0x1e: {  	[sflag:s16] =	ssyncset.done $0x0  }
0x1f: {  	s19 =	simm.s32 $0xA00;
	[sflag:s16] =	ssyncadd.s32 $0xFFFF6000  }
0x20: {  	[tilespmem:s12], [sflag:$0x1] =	stream.indirect.gather [hbm4b:s3+s9], $0x20, s19, s9, $0xb8;
	[tilespmem:$0x1C200] =	vst v63  }
0x21: {  	_ =	swait.ge [sflag:s17], $0xA000  }
0x22: {  	[sflag:s17] =	ssyncset.done $0x0  }
0x23: {  	s30 =	simm.s32 $0xF00;
	[sflag:s17] =	ssyncadd.s32 $0xFFFF6000  }
0x24: {  	[tilespmem:s13], [sflag:$0x2] =	stream.indirect.gather [hbm4b:s3+s9], $0x20, s30, s9, $0xb8;
	[tilespmem:$0x1C200] =	vst v63  }
0x25: {  	_ =	swait.ge [sflag:s14], $0xA000  }
0x26: {  	s20 =	sadd.s32 $0x0, s8;
	[sflag:s14] =	ssyncset.done $0x0  }
0x27: {  	s31 =	sadd.s32 $0x50000, s20;
	[sflag:s14] =	ssyncadd.s32 $0xFFFF6000  }
0x28: {  	[hbm4b:s31+s2] =	stream.linear.scatter [tilespmem:s12], [sflag:$0x3], $0xA000, $0x38;
	[tilespmem:$0x1C200] =	vst v63  }
0x29: {  	_ =	swait.ge [sflag:s15], $0xA000  }
0x2a: {  	s21 =	sadd.s32 $0x78000, s20;
	[sflag:s15] =	ssyncset.done $0x0  }
0x2b: {  	s20 =	simm.s32 $0x1400;
	s19 =	simm.s32 $0x50000;
	[sflag:s15] =	ssyncadd.s32 $0xFFFF6000  }
.LBB2_2:
0x2c: {  	[hbm4b:s21+s2] =	stream.linear.scatter [tilespmem:s13], [sflag:$0x4], $0xA000, $0x38;
	[tilespmem:$0x1C200] =	vst v63  }
0x2d: {  	s21 =	smov.u32 s19  }
0x2e: {  	p0 =	sne.s32 s19, $0x370000;
	s19 =	sadd.s32 $0x50000, s19;
	_ =	swait.ge [sflag:s16], $0xA000  }
0x2f: {  	[sflag:s16] =	ssyncset.done $0x0  }
0x30: {  	[sflag:s16] =	ssyncadd.s32 $0xFFFF6000  }
0x31: {  	[tilespmem:s12], [sflag:$0x1] =	stream.indirect.gather [hbm4b:s3+s9], $0x20, s20, s9, $0xb8;
	[tilespmem:$0x1C200] =	vst v63  }
0x32: {  	_ =	swait.ge [sflag:s17], $0xA000  }
0x33: {  	[sflag:s17] =	ssyncset.done $0x0  }
0x34: {  	s22 =	sadd.s32 $0x500, s20;
	[sflag:s17] =	ssyncadd.s32 $0xFFFF6000  }
0x35: {  	[tilespmem:s13], [sflag:$0x2] =	stream.indirect.gather [hbm4b:s3+s9], $0x20, s22, s9, $0xb8;
	[tilespmem:$0x1C200] =	vst v63  }
0x36: {  	_ =	swait.ge [sflag:s14], $0xA000  }
0x37: {  	s21 =	sadd.s32 s21, s8;
	[sflag:s14] =	ssyncset.done $0x0  }
.Ltmp0:
0x38: {  	s22 =	sadd.s32 $0x50000, s21;
	[sflag:s14] =	ssyncadd.s32 $0xFFFF6000;
	(pc) =	sbr.rel @p0 .LBB2_2-.Ltmp0, $4  }
0x39: {  	[hbm4b:s22+s2] =	stream.linear.scatter [tilespmem:s12], [sflag:$0x3], $0xA000, $0x38;
	[tilespmem:$0x1C200] =	vst v63  }
0x3a: {  	_ =	swait.ge [sflag:s15], $0xA000  }
0x3b: {  	[sflag:s15] =	ssyncset.done $0x0  }
0x3c: {  	s20 =	sadd.s32 $0xA00, s20;
	s21 =	sadd.s32 $0x78000, s21;
	[sflag:s15] =	ssyncadd.s32 $0xFFFF6000  }
0x3d: {  	[hbm4b:s21+s2] =	stream.linear.scatter [tilespmem:s13], [sflag:$0x4], $0xA000, $0x38;
	[tilespmem:$0x1C200] =	vst v63  }
0x3e: {  	s18 =	sadd.s32 $0x1, s18  }
0x3f: {  	_ =	swait.ge [sflag:s16], $0xA000;
	p0 =	sne.s32 s18, s5  }
.Ltmp1:
0x40: {  	[sflag:s16] =	ssyncset.done $0x0;
	(pc) =	sbr.rel @p0 .LBB2_1-.Ltmp1, $4  }
0x41: {  	[sflag:s16] =	ssyncadd.s32 $0xFFFF6000  }
0x42: {  	_ =	swait.ge [sflag:s17], $0xA000  }
0x43: {  	[sflag:s17] =	ssyncset.done $0x0  }
0x44: {  	[sflag:s17] =	ssyncadd.s32 $0xFFFF6000  }
0x45: {  	_ =	sfence.sel $0x180000  }
0x46: {  	[bflag:$0x0] =	sbarrier.arrive $0xFFFF  }
0x47: {  	p0 =	sne.s32 s0, $0x0;
	_ =	strace $0x90000047  }
0x48: {  	s0 =	sadd.s32 @!p0 $0x100000, s1;
	[bflag:$0x2] =	sbarrier.arrive $0xFFFF  }
0x49: {  	[sflag:s0] =	ssyncadd.tile.s32 @!p0 $0x1;
	_ =	shalt  }
.Lfunc_end2:
_tile_overlayer_lowered:
.L_overlay_start_2:
0x4a: {  	(tag) =	ssettag $0x2  }
0x4b: {  	s0 =	rddreg [dreg:$0x0];
	s2 =	stileid.u32  }
0x4c: {  	s1 =	rddreg [dreg:$0x1];
	p0 =	sne.s32 s2, $0x0  }
0x4d: {  	s3 =	rddreg [dreg:$0x2];
	[bflag:$0x3] =	sbarrier.arrive $0xFFFF;
	s2 =	simm.s32 @!p0 $0x1C05  }
0x4e: {  	[timem:s3], [sflag:s2] =	dma.local @!p0 [hbm:s0], s1  }
0x4f: {  	s0 =	simm.s32 @!p0 $0x5  }
0x50: {  	_ =	swait.ge @!p0 [sflag:s0], s1  }
0x51: {  	s1 =	ssub.s32 @!p0 $0x0, s1;
	[sflag:s0] =	ssyncset.done @!p0 $0x0  }
0x52: {  	[sflag:s0] =	ssyncadd.s32 @!p0 s1  }
0x53: {  	[bflag:$0x3] =	sbarrier.arrive $0xFFFF  }
0x54: {  	_ =	shalt  }

</sc_bundles>
